<compile_context>
chip_gen: v7x
topology: tpu7x:2x2x1
jax: 0.10.2.dev20260603
libtpu: 0.0.44.dev20260713+nightly
codegen_flags: <defaults>
</compile_context>

<pallas_src>
import functools

import jax
import jax.numpy as jnp
from jax import lax
from jax.experimental import pallas as pl
from jax.experimental.pallas import tpu as pltpu
from jax.experimental.pallas import tpu_sc as plsc

EMB = 64
HID = 128
OUT = 128
B = 16384
VOCAB = 1000000

_TBLK = 32768
_TSHIFT = _TBLK.bit_length() - 1
_Q = _TBLK // 4

_NGRID = (VOCAB + _TBLK - 1) // _TBLK
_NQUAD_PAD = _NGRID * _Q

_TCH = 1024


def _pack_pair(hi_f32, lo_f32):
    hi = lax.bitcast_convert_type(hi_f32.astype(jnp.bfloat16), jnp.uint16)
    lo = lax.bitcast_convert_type(lo_f32.astype(jnp.bfloat16), jnp.uint16)
    w = jnp.left_shift(hi.astype(jnp.uint32), 16) | lo.astype(jnp.uint32)
    return lax.bitcast_convert_type(w, jnp.float32)


def _transpose_body(xt_ref, o_ref):
    for j in range(_Q // _TCH):
        lo = j * _TCH
        ab = _pack_pair(
            xt_ref[:, lo : lo + _TCH],
            xt_ref[:, _Q + lo : _Q + lo + _TCH],
        )
        cd = _pack_pair(
            xt_ref[:, 2 * _Q + lo : 2 * _Q + lo + _TCH],
            xt_ref[:, 3 * _Q + lo : 3 * _Q + lo + _TCH],
        )
        o_ref[lo : lo + _TCH, 0:EMB] = ab.T
        o_ref[lo : lo + _TCH, EMB : 2 * EMB] = cd.T


def _tc_quadize(table_t):
    return pl.pallas_call(
        _transpose_body,
        grid=(_NGRID,),
        in_specs=[pl.BlockSpec((EMB, _TBLK), lambda i: (0, i))],
        out_specs=pl.BlockSpec((_Q, 2 * EMB), lambda i: (i, 0)),
        out_shape=jax.ShapeDtypeStruct((_NQUAD_PAD, 2 * EMB), jnp.float32),
    )(table_t)


def _make_sc_gather(D2, batch):
    try:
        info = plsc.get_sparse_core_info()
        NC, NS = info.num_cores, info.num_subcores
    except Exception:
        NC, NS = 2, 16
    NW = NC * NS
    assert batch % (8 * NW) == 0
    b_per_w = batch // NW
    mesh = plsc.VectorSubcoreMesh(
        core_axis_name="c", subcore_axis_name="s", num_cores=NC
    )

    @functools.partial(
        pl.kernel,
        mesh=mesh,
        out_type=jax.ShapeDtypeStruct((batch, D2), jnp.float32),
        scratch_types=[
            pltpu.VMEM((b_per_w,), jnp.int32),
            pltpu.VMEM((b_per_w, D2), jnp.float32),
            pltpu.SemaphoreType.DMA,
        ],
    )
    def gather_k(table_hbm, idx_hbm, out_hbm, idx_v, rows_v, sem):
        wid = lax.axis_index("s") * NC + lax.axis_index("c")
        base = wid * b_per_w
        pltpu.sync_copy(idx_hbm.at[pl.ds(base, b_per_w)], idx_v)
        pltpu.async_copy(table_hbm.at[idx_v], rows_v, sem).wait()
        pltpu.sync_copy(rows_v, out_hbm.at[pl.ds(base, b_per_w)])

    return gather_k


def _mlp_body(x_ref, sub_ref, w1t2_ref, b1_ref, w2t_ref, b2_ref, o_ref):
    u = lax.bitcast_convert_type(x_ref[...], jnp.int32)
    sub = sub_ref[...]
    qlo = jnp.bitwise_and(sub, 1)
    sel_u = jnp.where(qlo == 0, u & jnp.int32(-65536), jnp.left_shift(u, 16))
    xsel = lax.bitcast_convert_type(sel_u, jnp.float32)
    qhi = lax.shift_right_logical(sub, 1)
    col = lax.broadcasted_iota(jnp.int32, (1, 2 * EMB), 1)
    keep = (col < EMB) == (qhi == 0)
    x2 = jnp.where(keep, xsel, 0.0)
    h = jnp.dot(x2, w1t2_ref[...], preferred_element_type=jnp.float32)
    h = h + b1_ref[...]
    o_ref[...] = (
        jnp.dot(h, w2t_ref[...], preferred_element_type=jnp.float32) + b2_ref[...]
    )


def _tc_mlp(x, sub, w1t2, b1, w2t, b2):
    blk = 4096
    grid = (B // blk,)
    return pl.pallas_call(
        _mlp_body,
        grid=grid,
        in_specs=[
            pl.BlockSpec((blk, 2 * EMB), lambda i: (i, 0)),
            pl.BlockSpec((blk, 1), lambda i: (i, 0)),
            pl.BlockSpec((2 * EMB, HID), lambda i: (0, 0)),
            pl.BlockSpec((1, HID), lambda i: (0, 0)),
            pl.BlockSpec((HID, OUT), lambda i: (0, 0)),
            pl.BlockSpec((1, OUT), lambda i: (0, 0)),
        ],
        out_specs=pl.BlockSpec((blk, OUT), lambda i: (i, 0)),
        out_shape=jax.ShapeDtypeStruct((B, OUT), jnp.float32),
    )(x, sub, w1t2, b1, w2t, b2)


_sc_gather_cache = {}


def kernel(input_emotion, table, W1, b1, W2, b2):
    if "g" not in _sc_gather_cache:
        _sc_gather_cache["g"] = _make_sc_gather(2 * EMB, B)
    table_quads = _tc_quadize(table.T)
    r = input_emotion
    quad_idx = jnp.bitwise_or(
        jnp.left_shift(lax.shift_right_logical(r, _TSHIFT), _TSHIFT - 2),
        jnp.bitwise_and(r, _Q - 1),
    )
    sub = jnp.bitwise_and(lax.shift_right_logical(r, _TSHIFT - 2), 3).reshape(B, 1)
    gathered = _sc_gather_cache["g"](table_quads, quad_idx)
    w1t2 = jnp.concatenate([W1.T, W1.T], axis=0)
    out = _tc_mlp(
        gathered,
        sub,
        w1t2,
        b1.reshape(1, HID),
        W2.T,
        b2.reshape(1, OUT),
    )
    return out.reshape(1, B, OUT)

# --- scband reference (transcript-rebuilt; emitter-appended) ---
"""Pipeline reference for scband-attribute-encoder-74509092651261 (READ-ONLY COPY).

The authoritative reference and input builder live on the scoring server;
editing this copy changes nothing except your own understanding.
"""

import jax, jax.numpy as jnp
import numpy as np

EMOTION_NUM = 1000000
EMB = 64
HID = 128
OUT = 128
B = 16384


def setup_inputs(seed: int = 0) -> dict:
    key = jax.random.key(seed)
    k1, k2, k3, k4 = jax.random.split(key, 4)
    input_emotion = jax.random.randint(k1, (B,), 0, EMOTION_NUM, dtype=jnp.int32)
    table = jax.random.normal(k2, (EMOTION_NUM, EMB), dtype=jnp.float32) * 0.02
    W1 = jax.random.normal(k3, (HID, EMB), dtype=jnp.float32) * 0.02
    b1 = jnp.zeros((HID,), dtype=jnp.float32)
    W2 = jax.random.normal(k4, (OUT, HID), dtype=jnp.float32) * 0.02
    b2 = jnp.zeros((OUT,), dtype=jnp.float32)
    return {"input_emotion": input_emotion, "table": table, "W1": W1, "b1": b1, "W2": W2, "b2": b2}


def reference(input_emotion, table, W1, b1, W2, b2):
    # embedding lookup (gather)
    embedded = jnp.take(table, input_emotion, axis=0)
    # view(1, -1, embedding_dim)
    embedded = embedded.reshape(1, -1, EMB)
    # emb2hidden: Linear(EMB -> HID)
    hidden = jnp.dot(embedded, W1.T) + b1
    # hidden2out: Linear(HID -> OUT)
    out = jnp.dot(hidden, W2.T) + b2
    return out

if __name__ == "__main__":
    import jax
    _d = setup_inputs()
    print(jax.jit(kernel)(*tuple(_d.values())))

</pallas_src>

<mosaic_0001>
#map = affine_map<(d0, d1) -> (0, 0)>
#map1 = affine_map<(d0, d1) -> (0)>
module attributes {stable_mosaic.version = 14 : i64} {
  func.func @gather_k(%arg0: i32, %arg1: i32, %arg2: memref<253952x128xf32, #tpu.memory_space<hbm>>, %arg3: memref<16384xi32, #tpu.memory_space<hbm>>, %arg4: memref<16384x128xf32, #tpu.memory_space<hbm>>, %arg5: memref<512xi32, #tpu.memory_space<vmem>>, %arg6: memref<512x128xf32, #tpu.memory_space<vmem>>, %arg7: memref<!tpu.dma_semaphore, #tpu.memory_space<semaphore_mem>>) attributes {dimension_semantics = [#tpu.dimension_semantics<core_parallel>, #tpu.dimension_semantics<subcore_parallel>], iteration_bounds = array<i64: 2, 16>, scalar_prefetch = 0 : i64, scratch_operands = 3 : i64, tpu.core_type = #tpu.core_type<sc_vector_subcore>, window_params = [{transform_indices = #map}, {transform_indices = #map1}, {transform_indices = #map}]} {
    %mul3A = arith.constant 2 : i32
    %mul3A_0 = arith.muli %arg1, %mul3A : i32
    %add3A = arith.addi %mul3A_0, %arg0 : i32
    %mul3A_1 = arith.constant 512 : i32
    %mul3A_2 = arith.muli %add3A, %mul3A_1 : i32
    "tpu.region"() ({
      %run_scoped3A = tpu.sem_alloc : memref<!tpu.dma_semaphore, #tpu.memory_space<semaphore_mem>>
      %dma_start3A_7 = tpu.memref_slice %arg3[%mul3A_2] : memref<16384xi32, #tpu.memory_space<hbm>> -> memref<512xi32, #tpu.memory_space<hbm>>
      %dma_start3A_8 = tpu.memref_slice %arg3[%mul3A_2] : memref<16384xi32, #tpu.memory_space<hbm>> -> memref<512xi32, #tpu.memory_space<hbm>>
      tpu.enqueue_dma source(%dma_start3A_8 : memref<512xi32, #tpu.memory_space<hbm>>) target(%arg5 : memref<512xi32, #tpu.memory_space<vmem>>) target_semaphore(%run_scoped3A : memref<!tpu.dma_semaphore, #tpu.memory_space<semaphore_mem>>)
      %dma_wait3A_9 = tpu.memref_slice %arg3[%mul3A_2] : memref<16384xi32, #tpu.memory_space<hbm>> -> memref<512xi32, #tpu.memory_space<hbm>>
      %dma_wait3A_10 = tpu.memref_slice %arg3[%mul3A_2] : memref<16384xi32, #tpu.memory_space<hbm>> -> memref<512xi32, #tpu.memory_space<hbm>>
      tpu.wait_dma2 semaphore(%run_scoped3A : memref<!tpu.dma_semaphore, #tpu.memory_space<semaphore_mem>>) src(%dma_wait3A_10 : memref<512xi32, #tpu.memory_space<hbm>>) dst(%arg5 : memref<512xi32, #tpu.memory_space<vmem>>)
      tpu.yield
    }) : () -> ()
    %dma_start3A = arith.constant 0 : i32
    %dma_start3A_3 = arith.constant 0 : i32
    %dma_start3A_4 = tpu.memref_slice %arg2[%dma_start3A, %dma_start3A_3] : memref<253952x128xf32, #tpu.memory_space<hbm>> -> memref<253952x128xf32, #tpu.memory_space<hbm>>
    tpu.enqueue_indirect_dma source(%dma_start3A_4 : memref<253952x128xf32, #tpu.memory_space<hbm>>) target(%arg6 : memref<512x128xf32, #tpu.memory_space<vmem>>) offsets(%arg5 : memref<512xi32, #tpu.memory_space<vmem>>) semaphore(%arg7 : memref<!tpu.dma_semaphore, #tpu.memory_space<semaphore_mem>>)
    %dma_wait3A = arith.constant 0 : i32
    %dma_wait3A_5 = arith.constant 0 : i32
    %dma_wait3A_6 = tpu.memref_slice %arg2[%dma_wait3A, %dma_wait3A_5] : memref<253952x128xf32, #tpu.memory_space<hbm>> -> memref<253952x128xf32, #tpu.memory_space<hbm>>
    tpu.wait_indirect_dma semaphore(%arg7 : memref<!tpu.dma_semaphore, #tpu.memory_space<semaphore_mem>>) src(%dma_wait3A_6 : memref<253952x128xf32, #tpu.memory_space<hbm>>) dst(%arg6 : memref<512x128xf32, #tpu.memory_space<vmem>>)
    "tpu.region"() ({
      %run_scoped3A = tpu.sem_alloc : memref<!tpu.dma_semaphore, #tpu.memory_space<semaphore_mem>>
      %dma_start3A_7 = arith.constant 0 : i32
      %dma_start3A_8 = tpu.memref_slice %arg4[%mul3A_2, %dma_start3A_7] : memref<16384x128xf32, #tpu.memory_space<hbm>> -> memref<512x128xf32, #tpu.memory_space<hbm>>
      %dma_start3A_9 = arith.constant 0 : i32
      %dma_start3A_10 = tpu.memref_slice %arg4[%mul3A_2, %dma_start3A_9] : memref<16384x128xf32, #tpu.memory_space<hbm>> -> memref<512x128xf32, #tpu.memory_space<hbm>>
      tpu.enqueue_dma source(%arg6 : memref<512x128xf32, #tpu.memory_space<vmem>>) target(%dma_start3A_10 : memref<512x128xf32, #tpu.memory_space<hbm>>) target_semaphore(%run_scoped3A : memref<!tpu.dma_semaphore, #tpu.memory_space<semaphore_mem>>)
      %dma_wait3A_11 = arith.constant 0 : i32
      %dma_wait3A_12 = tpu.memref_slice %arg4[%mul3A_2, %dma_wait3A_11] : memref<16384x128xf32, #tpu.memory_space<hbm>> -> memref<512x128xf32, #tpu.memory_space<hbm>>
      %dma_wait3A_13 = arith.constant 0 : i32
      %dma_wait3A_14 = tpu.memref_slice %arg4[%mul3A_2, %dma_wait3A_13] : memref<16384x128xf32, #tpu.memory_space<hbm>> -> memref<512x128xf32, #tpu.memory_space<hbm>>
      tpu.wait_dma2 semaphore(%run_scoped3A : memref<!tpu.dma_semaphore, #tpu.memory_space<semaphore_mem>>) src(%arg6 : memref<512x128xf32, #tpu.memory_space<vmem>>) dst(%dma_wait3A_14 : memref<512x128xf32, #tpu.memory_space<hbm>>)
      tpu.yield
    }) : () -> ()
    return
  }
}

module attributes {stable_mosaic.version = 14 : i64} {
  func.func @_transpose_body(%arg0: i32, %arg1: memref<64x32768xf32, #tpu.memory_space<vmem>>, %arg2: memref<8192x128xf32, #tpu.memory_space<vmem>>) attributes {dimension_semantics = [#tpu.dimension_semantics<arbitrary>], iteration_bounds = array<i64: 31>, scalar_prefetch = 0 : i64, scratch_operands = 0 : i64, tpu.core_type = #tpu.core_type<tc>, window_params = [{transform_indices = @transform_0, window_bounds = array<i64: 64, 32768>}, {transform_indices = @transform_1, window_bounds = array<i64: 8192, 128>}]} {
    %get3A = arith.constant 0 : index
    %get3A_0 = arith.constant 0 : index
    %get3A_1 = vector.load %arg1[%get3A, %get3A_0] : memref<64x32768xf32, #tpu.memory_space<vmem>>, vector<64x1024xf32>
    %get3A_2 = arith.constant 0 : index
    %get3A_3 = arith.constant 8192 : index
    %get3A_4 = vector.load %arg1[%get3A_2, %get3A_3] : memref<64x32768xf32, #tpu.memory_space<vmem>>, vector<64x1024xf32>
    %convert_element_type3A = arith.truncf %get3A_1 : vector<64x1024xf32> to vector<64x1024xbf16>
    %bitcast_convert_type3A = tpu.bitcast %convert_element_type3A : vector<64x1024xbf16> -> vector<64x1024xi16>
    %convert_element_type3A_5 = arith.truncf %get3A_4 : vector<64x1024xf32> to vector<64x1024xbf16>
    %bitcast_convert_type3A_6 = tpu.bitcast %convert_element_type3A_5 : vector<64x1024xbf16> -> vector<64x1024xi16>
    %convert_element_type3A_7 = arith.extui %bitcast_convert_type3A : vector<64x1024xi16> to vector<64x1024xi32>
    %shift_left3A = arith.constant 16 : i32
    %shift_left3A_8 = vector.broadcast %shift_left3A : i32 to vector<64x1024xi32>
    %shift_left3A_9 = arith.shli %convert_element_type3A_7, %shift_left3A_8 : vector<64x1024xi32>
    %convert_element_type3A_10 = arith.extui %bitcast_convert_type3A_6 : vector<64x1024xi16> to vector<64x1024xi32>
    %or3A = arith.ori %shift_left3A_9, %convert_element_type3A_10 : vector<64x1024xi32>
    %bitcast_convert_type3A_11 = tpu.bitcast %or3A : vector<64x1024xi32> -> vector<64x1024xf32>
    %get3A_12 = arith.constant 0 : index
    %get3A_13 = arith.constant 16384 : index
    %get3A_14 = vector.load %arg1[%get3A_12, %get3A_13] : memref<64x32768xf32, #tpu.memory_space<vmem>>, vector<64x1024xf32>
    %get3A_15 = arith.constant 0 : index
    %get3A_16 = arith.constant 24576 : index
    %get3A_17 = vector.load %arg1[%get3A_15, %get3A_16] : memref<64x32768xf32, #tpu.memory_space<vmem>>, vector<64x1024xf32>
    %convert_element_type3A_18 = arith.truncf %get3A_14 : vector<64x1024xf32> to vector<64x1024xbf16>
    %bitcast_convert_type3A_19 = tpu.bitcast %convert_element_type3A_18 : vector<64x1024xbf16> -> vector<64x1024xi16>
    %convert_element_type3A_20 = arith.truncf %get3A_17 : vector<64x1024xf32> to vector<64x1024xbf16>
    %bitcast_convert_type3A_21 = tpu.bitcast %convert_element_type3A_20 : vector<64x1024xbf16> -> vector<64x1024xi16>
    %convert_element_type3A_22 = arith.extui %bitcast_convert_type3A_19 : vector<64x1024xi16> to vector<64x1024xi32>
    %shift_left3A_23 = arith.constant 16 : i32
    %shift_left3A_24 = vector.broadcast %shift_left3A_23 : i32 to vector<64x1024xi32>
    %shift_left3A_25 = arith.shli %convert_element_type3A_22, %shift_left3A_24 : vector<64x1024xi32>
    %convert_element_type3A_26 = arith.extui %bitcast_convert_type3A_21 : vector<64x1024xi16> to vector<64x1024xi32>
    %or3A_27 = arith.ori %shift_left3A_25, %convert_element_type3A_26 : vector<64x1024xi32>
    %bitcast_convert_type3A_28 = tpu.bitcast %or3A_27 : vector<64x1024xi32> -> vector<64x1024xf32>
    %transpose3A = tpu.transpose %bitcast_convert_type3A_11, [1, 0] : vector<64x1024xf32> -> vector<1024x64xf32>
    %swap3A = arith.constant 0 : index
    %swap3A_29 = arith.constant 0 : index
    %swap3A_30 = vector.load %arg2[%swap3A, %swap3A_29] : memref<8192x128xf32, #tpu.memory_space<vmem>>, vector<1024x64xf32>
    tpu.vector_store %arg2[%swap3A, %swap3A_29], %transpose3A {strides = array<i32>} : memref<8192x128xf32, #tpu.memory_space<vmem>>, vector<1024x64xf32>,
    %transpose3A_31 = tpu.transpose %bitcast_convert_type3A_28, [1, 0] : vector<64x1024xf32> -> vector<1024x64xf32>
    %swap3A_32 = arith.constant 0 : index
    %swap3A_33 = arith.constant 64 : index
    %swap3A_34 = vector.load %arg2[%swap3A_32, %swap3A_33] : memref<8192x128xf32, #tpu.memory_space<vmem>>, vector<1024x64xf32>
    tpu.vector_store %arg2[%swap3A_32, %swap3A_33], %transpose3A_31 {strides = array<i32>} : memref<8192x128xf32, #tpu.memory_space<vmem>>, vector<1024x64xf32>,
    %get3A_35 = arith.constant 0 : index
    %get3A_36 = arith.constant 1024 : index
    %get3A_37 = vector.load %arg1[%get3A_35, %get3A_36] : memref<64x32768xf32, #tpu.memory_space<vmem>>, vector<64x1024xf32>
    %get3A_38 = arith.constant 0 : index
    %get3A_39 = arith.constant 9216 : index
    %get3A_40 = vector.load %arg1[%get3A_38, %get3A_39] : memref<64x32768xf32, #tpu.memory_space<vmem>>, vector<64x1024xf32>
    %convert_element_type3A_41 = arith.truncf %get3A_37 : vector<64x1024xf32> to vector<64x1024xbf16>
    %bitcast_convert_type3A_42 = tpu.bitcast %convert_element_type3A_41 : vector<64x1024xbf16> -> vector<64x1024xi16>
    %convert_element_type3A_43 = arith.truncf %get3A_40 : vector<64x1024xf32> to vector<64x1024xbf16>
    %bitcast_convert_type3A_44 = tpu.bitcast %convert_element_type3A_43 : vector<64x1024xbf16> -> vector<64x1024xi16>
    %convert_element_type3A_45 = arith.extui %bitcast_convert_type3A_42 : vector<64x1024xi16> to vector<64x1024xi32>
    %shift_left3A_46 = arith.constant 16 : i32
    %shift_left3A_47 = vector.broadcast %shift_left3A_46 : i32 to vector<64x1024xi32>
    %shift_left3A_48 = arith.shli %convert_element_type3A_45, %shift_left3A_47 : vector<64x1024xi32>
    %convert_element_type3A_49 = arith.extui %bitcast_convert_type3A_44 : vector<64x1024xi16> to vector<64x1024xi32>
    %or3A_50 = arith.ori %shift_left3A_48, %convert_element_type3A_49 : vector<64x1024xi32>
    %bitcast_convert_type3A_51 = tpu.bitcast %or3A_50 : vector<64x1024xi32> -> vector<64x1024xf32>
    %get3A_52 = arith.constant 0 : index
    %get3A_53 = arith.constant 17408 : index
    %get3A_54 = vector.load %arg1[%get3A_52, %get3A_53] : memref<64x32768xf32, #tpu.memory_space<vmem>>, vector<64x1024xf32>
    %get3A_55 = arith.constant 0 : index
    %get3A_56 = arith.constant 25600 : index
    %get3A_57 = vector.load %arg1[%get3A_55, %get3A_56] : memref<64x32768xf32, #tpu.memory_space<vmem>>, vector<64x1024xf32>
    %convert_element_type3A_58 = arith.truncf %get3A_54 : vector<64x1024xf32> to vector<64x1024xbf16>
    %bitcast_convert_type3A_59 = tpu.bitcast %convert_element_type3A_58 : vector<64x1024xbf16> -> vector<64x1024xi16>
    %convert_element_type3A_60 = arith.truncf %get3A_57 : vector<64x1024xf32> to vector<64x1024xbf16>
    %bitcast_convert_type3A_61 = tpu.bitcast %convert_element_type3A_60 : vector<64x1024xbf16> -> vector<64x1024xi16>
    %convert_element_type3A_62 = arith.extui %bitcast_convert_type3A_59 : vector<64x1024xi16> to vector<64x1024xi32>
    %shift_left3A_63 = arith.constant 16 : i32
    %shift_left3A_64 = vector.broadcast %shift_left3A_63 : i32 to vector<64x1024xi32>
    %shift_left3A_65 = arith.shli %convert_element_type3A_62, %shift_left3A_64 : vector<64x1024xi32>
    %convert_element_type3A_66 = arith.extui %bitcast_convert_type3A_61 : vector<64x1024xi16> to vector<64x1024xi32>
    %or3A_67 = arith.ori %shift_left3A_65, %convert_element_type3A_66 : vector<64x1024xi32>
    %bitcast_convert_type3A_68 = tpu.bitcast %or3A_67 : vector<64x1024xi32> -> vector<64x1024xf32>
    %transpose3A_69 = tpu.transpose %bitcast_convert_type3A_51, [1, 0] : vector<64x1024xf32> -> vector<1024x64xf32>
    %swap3A_70 = arith.constant 1024 : index
    %swap3A_71 = arith.constant 0 : index
    %swap3A_72 = vector.load %arg2[%swap3A_70, %swap3A_71] : memref<8192x128xf32, #tpu.memory_space<vmem>>, vector<1024x64xf32>
    tpu.vector_store %arg2[%swap3A_70, %swap3A_71], %transpose3A_69 {strides = array<i32>} : memref<8192x128xf32, #tpu.memory_space<vmem>>, vector<1024x64xf32>,
    %transpose3A_73 = tpu.transpose %bitcast_convert_type3A_68, [1, 0] : vector<64x1024xf32> -> vector<1024x64xf32>
    %swap3A_74 = arith.constant 1024 : index
    %swap3A_75 = arith.constant 64 : index
    %swap3A_76 = vector.load %arg2[%swap3A_74, %swap3A_75] : memref<8192x128xf32, #tpu.memory_space<vmem>>, vector<1024x64xf32>
    tpu.vector_store %arg2[%swap3A_74, %swap3A_75], %transpose3A_73 {strides = array<i32>} : memref<8192x128xf32, #tpu.memory_space<vmem>>, vector<1024x64xf32>,
    %get3A_77 = arith.constant 0 : index
    %get3A_78 = arith.constant 2048 : index
    %get3A_79 = vector.load %arg1[%get3A_77, %get3A_78] : memref<64x32768xf32, #tpu.memory_space<vmem>>, vector<64x1024xf32>
    %get3A_80 = arith.constant 0 : index
    %get3A_81 = arith.constant 10240 : index
    %get3A_82 = vector.load %arg1[%get3A_80, %get3A_81] : memref<64x32768xf32, #tpu.memory_space<vmem>>, vector<64x1024xf32>
    %convert_element_type3A_83 = arith.truncf %get3A_79 : vector<64x1024xf32> to vector<64x1024xbf16>
    %bitcast_convert_type3A_84 = tpu.bitcast %convert_element_type3A_83 : vector<64x1024xbf16> -> vector<64x1024xi16>
    %convert_element_type3A_85 = arith.truncf %get3A_82 : vector<64x1024xf32> to vector<64x1024xbf16>
    %bitcast_convert_type3A_86 = tpu.bitcast %convert_element_type3A_85 : vector<64x1024xbf16> -> vector<64x1024xi16>
    %convert_element_type3A_87 = arith.extui %bitcast_convert_type3A_84 : vector<64x1024xi16> to vector<64x1024xi32>
    %shift_left3A_88 = arith.constant 16 : i32
    %shift_left3A_89 = vector.broadcast %shift_left3A_88 : i32 to vector<64x1024xi32>
    %shift_left3A_90 = arith.shli %convert_element_type3A_87, %shift_left3A_89 : vector<64x1024xi32>
    %convert_element_type3A_91 = arith.extui %bitcast_convert_type3A_86 : vector<64x1024xi16> to vector<64x1024xi32>
    %or3A_92 = arith.ori %shift_left3A_90, %convert_element_type3A_91 : vector<64x1024xi32>
    %bitcast_convert_type3A_93 = tpu.bitcast %or3A_92 : vector<64x1024xi32> -> vector<64x1024xf32>
    %get3A_94 = arith.constant 0 : index
    %get3A_95 = arith.constant 18432 : index
    %get3A_96 = vector.load %arg1[%get3A_94, %get3A_95] : memref<64x32768xf32, #tpu.memory_space<vmem>>, vector<64x1024xf32>
    %get3A_97 = arith.constant 0 : index
    %get3A_98 = arith.constant 26624 : index
    %get3A_99 = vector.load %arg1[%get3A_97, %get3A_98] : memref<64x32768xf32, #tpu.memory_space<vmem>>, vector<64x1024xf32>
    %convert_element_type3A_100 = arith.truncf %get3A_96 : vector<64x1024xf32> to vector<64x1024xbf16>
    %bitcast_convert_type3A_101 = tpu.bitcast %convert_element_type3A_100 : vector<64x1024xbf16> -> vector<64x1024xi16>
    %convert_element_type3A_102 = arith.truncf %get3A_99 : vector<64x1024xf32> to vector<64x1024xbf16>
    %bitcast_convert_type3A_103 = tpu.bitcast %convert_element_type3A_102 : vector<64x1024xbf16> -> vector<64x1024xi16>
    %convert_element_type3A_104 = arith.extui %bitcast_convert_type3A_101 : vector<64x1024xi16> to vector<64x1024xi32>
    %shift_left3A_105 = arith.constant 16 : i32
    %shift_left3A_106 = vector.broadcast %shift_left3A_105 : i32 to vector<64x1024xi32>
    %shift_left3A_107 = arith.shli %convert_element_type3A_104, %shift_left3A_106 : vector<64x1024xi32>
    %convert_element_type3A_108 = arith.extui %bitcast_convert_type3A_103 : vector<64x1024xi16> to vector<64x1024xi32>
    %or3A_109 = arith.ori %shift_left3A_107, %convert_element_type3A_108 : vector<64x1024xi32>
    %bitcast_convert_type3A_110 = tpu.bitcast %or3A_109 : vector<64x1024xi32> -> vector<64x1024xf32>
    %transpose3A_111 = tpu.transpose %bitcast_convert_type3A_93, [1, 0] : vector<64x1024xf32> -> vector<1024x64xf32>
    %swap3A_112 = arith.constant 2048 : index
    %swap3A_113 = arith.constant 0 : index
    %swap3A_114 = vector.load %arg2[%swap3A_112, %swap3A_113] : memref<8192x128xf32, #tpu.memory_space<vmem>>, vector<1024x64xf32>
    tpu.vector_store %arg2[%swap3A_112, %swap3A_113], %transpose3A_111 {strides = array<i32>} : memref<8192x128xf32, #tpu.memory_space<vmem>>, vector<1024x64xf32>,
    %transpose3A_115 = tpu.transpose %bitcast_convert_type3A_110, [1, 0] : vector<64x1024xf32> -> vector<1024x64xf32>
    %swap3A_116 = arith.constant 2048 : index
    %swap3A_117 = arith.constant 64 : index
    %swap3A_118 = vector.load %arg2[%swap3A_116, %swap3A_117] : memref<8192x128xf32, #tpu.memory_space<vmem>>, vector<1024x64xf32>
    tpu.vector_store %arg2[%swap3A_116, %swap3A_117], %transpose3A_115 {strides = array<i32>} : memref<8192x128xf32, #tpu.memory_space<vmem>>, vector<1024x64xf32>,
    %get3A_119 = arith.constant 0 : index
    %get3A_120 = arith.constant 3072 : index
    %get3A_121 = vector.load %arg1[%get3A_119, %get3A_120] : memref<64x32768xf32, #tpu.memory_space<vmem>>, vector<64x1024xf32>
    %get3A_122 = arith.constant 0 : index
    %get3A_123 = arith.constant 11264 : index
    %get3A_124 = vector.load %arg1[%get3A_122, %get3A_123] : memref<64x32768xf32, #tpu.memory_space<vmem>>, vector<64x1024xf32>
    %convert_element_type3A_125 = arith.truncf %get3A_121 : vector<64x1024xf32> to vector<64x1024xbf16>
    %bitcast_convert_type3A_126 = tpu.bitcast %convert_element_type3A_125 : vector<64x1024xbf16> -> vector<64x1024xi16>
    %convert_element_type3A_127 = arith.truncf %get3A_124 : vector<64x1024xf32> to vector<64x1024xbf16>
    %bitcast_convert_type3A_128 = tpu.bitcast %convert_element_type3A_127 : vector<64x1024xbf16> -> vector<64x1024xi16>
    %convert_element_type3A_129 = arith.extui %bitcast_convert_type3A_126 : vector<64x1024xi16> to vector<64x1024xi32>
    %shift_left3A_130 = arith.constant 16 : i32
    %shift_left3A_131 = vector.broadcast %shift_left3A_130 : i32 to vector<64x1024xi32>
    %shift_left3A_132 = arith.shli %convert_element_type3A_129, %shift_left3A_131 : vector<64x1024xi32>
    %convert_element_type3A_133 = arith.extui %bitcast_convert_type3A_128 : vector<64x1024xi16> to vector<64x1024xi32>
    %or3A_134 = arith.ori %shift_left3A_132, %convert_element_type3A_133 : vector<64x1024xi32>
    %bitcast_convert_type3A_135 = tpu.bitcast %or3A_134 : vector<64x1024xi32> -> vector<64x1024xf32>
    %get3A_136 = arith.constant 0 : index
    %get3A_137 = arith.constant 19456 : index
    %get3A_138 = vector.load %arg1[%get3A_136, %get3A_137] : memref<64x32768xf32, #tpu.memory_space<vmem>>, vector<64x1024xf32>
    %get3A_139 = arith.constant 0 : index
    %get3A_140 = arith.constant 27648 : index
    %get3A_141 = vector.load %arg1[%get3A_139, %get3A_140] : memref<64x32768xf32, #tpu.memory_space<vmem>>, vector<64x1024xf32>
    %convert_element_type3A_142 = arith.truncf %get3A_138 : vector<64x1024xf32> to vector<64x1024xbf16>
    %bitcast_convert_type3A_143 = tpu.bitcast %convert_element_type3A_142 : vector<64x1024xbf16> -> vector<64x1024xi16>
    %convert_element_type3A_144 = arith.truncf %get3A_141 : vector<64x1024xf32> to vector<64x1024xbf16>
    %bitcast_convert_type3A_145 = tpu.bitcast %convert_element_type3A_144 : vector<64x1024xbf16> -> vector<64x1024xi16>
    %convert_element_type3A_146 = arith.extui %bitcast_convert_type3A_143 : vector<64x1024xi16> to vector<64x1024xi32>
    %shift_left3A_147 = arith.constant 16 : i32
    %shift_left3A_148 = vector.broadcast %shift_left3A_147 : i32 to vector<64x1024xi32>
    %shift_left3A_149 = arith.shli %convert_element_type3A_146, %shift_left3A_148 : vector<64x1024xi32>
    %convert_element_type3A_150 = arith.extui %bitcast_convert_type3A_145 : vector<64x1024xi16> to vector<64x1024xi32>
    %or3A_151 = arith.ori %shift_left3A_149, %convert_element_type3A_150 : vector<64x1024xi32>
    %bitcast_convert_type3A_152 = tpu.bitcast %or3A_151 : vector<64x1024xi32> -> vector<64x1024xf32>
    %transpose3A_153 = tpu.transpose %bitcast_convert_type3A_135, [1, 0] : vector<64x1024xf32> -> vector<1024x64xf32>
    %swap3A_154 = arith.constant 3072 : index
    %swap3A_155 = arith.constant 0 : index
    %swap3A_156 = vector.load %arg2[%swap3A_154, %swap3A_155] : memref<8192x128xf32, #tpu.memory_space<vmem>>, vector<1024x64xf32>
    tpu.vector_store %arg2[%swap3A_154, %swap3A_155], %transpose3A_153 {strides = array<i32>} : memref<8192x128xf32, #tpu.memory_space<vmem>>, vector<1024x64xf32>,
    %transpose3A_157 = tpu.transpose %bitcast_convert_type3A_152, [1, 0] : vector<64x1024xf32> -> vector<1024x64xf32>
    %swap3A_158 = arith.constant 3072 : index
    %swap3A_159 = arith.constant 64 : index
    %swap3A_160 = vector.load %arg2[%swap3A_158, %swap3A_159] : memref<8192x128xf32, #tpu.memory_space<vmem>>, vector<1024x64xf32>
    tpu.vector_store %arg2[%swap3A_158, %swap3A_159], %transpose3A_157 {strides = array<i32>} : memref<8192x128xf32, #tpu.memory_space<vmem>>, vector<1024x64xf32>,
    %get3A_161 = arith.constant 0 : index
    %get3A_162 = arith.constant 4096 : index
    %get3A_163 = vector.load %arg1[%get3A_161, %get3A_162] : memref<64x32768xf32, #tpu.memory_space<vmem>>, vector<64x1024xf32>
    %get3A_164 = arith.constant 0 : index
    %get3A_165 = arith.constant 12288 : index
    %get3A_166 = vector.load %arg1[%get3A_164, %get3A_165] : memref<64x32768xf32, #tpu.memory_space<vmem>>, vector<64x1024xf32>
    %convert_element_type3A_167 = arith.truncf %get3A_163 : vector<64x1024xf32> to vector<64x1024xbf16>
    %bitcast_convert_type3A_168 = tpu.bitcast %convert_element_type3A_167 : vector<64x1024xbf16> -> vector<64x1024xi16>
    %convert_element_type3A_169 = arith.truncf %get3A_166 : vector<64x1024xf32> to vector<64x1024xbf16>
    %bitcast_convert_type3A_170 = tpu.bitcast %convert_element_type3A_169 : vector<64x1024xbf16> -> vector<64x1024xi16>
    %convert_element_type3A_171 = arith.extui %bitcast_convert_type3A_168 : vector<64x1024xi16> to vector<64x1024xi32>
    %shift_left3A_172 = arith.constant 16 : i32
    %shift_left3A_173 = vector.broadcast %shift_left3A_172 : i32 to vector<64x1024xi32>
    %shift_left3A_174 = arith.shli %convert_element_type3A_171, %shift_left3A_173 : vector<64x1024xi32>
    %convert_element_type3A_175 = arith.extui %bitcast_convert_type3A_170 : vector<64x1024xi16> to vector<64x1024xi32>
    %or3A_176 = arith.ori %shift_left3A_174, %convert_element_type3A_175 : vector<64x1024xi32>
    %bitcast_convert_type3A_177 = tpu.bitcast %or3A_176 : vector<64x1024xi32> -> vector<64x1024xf32>
    %get3A_178 = arith.constant 0 : index
    %get3A_179 = arith.constant 20480 : index
    %get3A_180 = vector.load %arg1[%get3A_178, %get3A_179] : memref<64x32768xf32, #tpu.memory_space<vmem>>, vector<64x1024xf32>
    %get3A_181 = arith.constant 0 : index
    %get3A_182 = arith.constant 28672 : index
    %get3A_183 = vector.load %arg1[%get3A_181, %get3A_182] : memref<64x32768xf32, #tpu.memory_space<vmem>>, vector<64x1024xf32>
    %convert_element_type3A_184 = arith.truncf %get3A_180 : vector<64x1024xf32> to vector<64x1024xbf16>
    %bitcast_convert_type3A_185 = tpu.bitcast %convert_element_type3A_184 : vector<64x1024xbf16> -> vector<64x1024xi16>
    %convert_element_type3A_186 = arith.truncf %get3A_183 : vector<64x1024xf32> to vector<64x1024xbf16>
    %bitcast_convert_type3A_187 = tpu.bitcast %convert_element_type3A_186 : vector<64x1024xbf16> -> vector<64x1024xi16>
    %convert_element_type3A_188 = arith.extui %bitcast_convert_type3A_185 : vector<64x1024xi16> to vector<64x1024xi32>
    %shift_left3A_189 = arith.constant 16 : i32
    %shift_left3A_190 = vector.broadcast %shift_left3A_189 : i32 to vector<64x1024xi32>
    %shift_left3A_191 = arith.shli %convert_element_type3A_188, %shift_left3A_190 : vector<64x1024xi32>
    %convert_element_type3A_192 = arith.extui %bitcast_convert_type3A_187 : vector<64x1024xi16> to vector<64x1024xi32>
    %or3A_193 = arith.ori %shift_left3A_191, %convert_element_type3A_192 : vector<64x1024xi32>
    %bitcast_convert_type3A_194 = tpu.bitcast %or3A_193 : vector<64x1024xi32> -> vector<64x1024xf32>
    %transpose3A_195 = tpu.transpose %bitcast_convert_type3A_177, [1, 0] : vector<64x1024xf32> -> vector<1024x64xf32>
    %swap3A_196 = arith.constant 4096 : index
    %swap3A_197 = arith.constant 0 : index
    %swap3A_198 = vector.load %arg2[%swap3A_196, %swap3A_197] : memref<8192x128xf32, #tpu.memory_space<vmem>>, vector<1024x64xf32>
    tpu.vector_store %arg2[%swap3A_196, %swap3A_197], %transpose3A_195 {strides = array<i32>} : memref<8192x128xf32, #tpu.memory_space<vmem>>, vector<1024x64xf32>,
    %transpose3A_199 = tpu.transpose %bitcast_convert_type3A_194, [1, 0] : vector<64x1024xf32> -> vector<1024x64xf32>
    %swap3A_200 = arith.constant 4096 : index
    %swap3A_201 = arith.constant 64 : index
    %swap3A_202 = vector.load %arg2[%swap3A_200, %swap3A_201] : memref<8192x128xf32, #tpu.memory_space<vmem>>, vector<1024x64xf32>
    tpu.vector_store %arg2[%swap3A_200, %swap3A_201], %transpose3A_199 {strides = array<i32>} : memref<8192x128xf32, #tpu.memory_space<vmem>>, vector<1024x64xf32>,
    %get3A_203 = arith.constant 0 : index
    %get3A_204 = arith.constant 5120 : index
    %get3A_205 = vector.load %arg1[%get3A_203, %get3A_204] : memref<64x32768xf32, #tpu.memory_space<vmem>>, vector<64x1024xf32>
    %get3A_206 = arith.constant 0 : index
    %get3A_207 = arith.constant 13312 : index
    %get3A_208 = vector.load %arg1[%get3A_206, %get3A_207] : memref<64x32768xf32, #tpu.memory_space<vmem>>, vector<64x1024xf32>
    %convert_element_type3A_209 = arith.truncf %get3A_205 : vector<64x1024xf32> to vector<64x1024xbf16>
    %bitcast_convert_type3A_210 = tpu.bitcast %convert_element_type3A_209 : vector<64x1024xbf16> -> vector<64x1024xi16>
    %convert_element_type3A_211 = arith.truncf %get3A_208 : vector<64x1024xf32> to vector<64x1024xbf16>
    %bitcast_convert_type3A_212 = tpu.bitcast %convert_element_type3A_211 : vector<64x1024xbf16> -> vector<64x1024xi16>
    %convert_element_type3A_213 = arith.extui %bitcast_convert_type3A_210 : vector<64x1024xi16> to vector<64x1024xi32>
    %shift_left3A_214 = arith.constant 16 : i32
    %shift_left3A_215 = vector.broadcast %shift_left3A_214 : i32 to vector<64x1024xi32>
    %shift_left3A_216 = arith.shli %convert_element_type3A_213, %shift_left3A_215 : vector<64x1024xi32>
    %convert_element_type3A_217 = arith.extui %bitcast_convert_type3A_212 : vector<64x1024xi16> to vector<64x1024xi32>
    %or3A_218 = arith.ori %shift_left3A_216, %convert_element_type3A_217 : vector<64x1024xi32>
    %bitcast_convert_type3A_219 = tpu.bitcast %or3A_218 : vector<64x1024xi32> -> vector<64x1024xf32>
    %get3A_220 = arith.constant 0 : index
    %get3A_221 = arith.constant 21504 : index
    %get3A_222 = vector.load %arg1[%get3A_220, %get3A_221] : memref<64x32768xf32, #tpu.memory_space<vmem>>, vector<64x1024xf32>
    %get3A_223 = arith.constant 0 : index
    %get3A_224 = arith.constant 29696 : index
    %get3A_225 = vector.load %arg1[%get3A_223, %get3A_224] : memref<64x32768xf32, #tpu.memory_space<vmem>>, vector<64x1024xf32>
    %convert_element_type3A_226 = arith.truncf %get3A_222 : vector<64x1024xf32> to vector<64x1024xbf16>
    %bitcast_convert_type3A_227 = tpu.bitcast %convert_element_type3A_226 : vector<64x1024xbf16> -> vector<64x1024xi16>
    %convert_element_type3A_228 = arith.truncf %get3A_225 : vector<64x1024xf32> to vector<64x1024xbf16>
    %bitcast_convert_type3A_229 = tpu.bitcast %convert_element_type3A_228 : vector<64x1024xbf16> -> vector<64x1024xi16>
    %convert_element_type3A_230 = arith.extui %bitcast_convert_type3A_227 : vector<64x1024xi16> to vector<64x1024xi32>
    %shift_left3A_231 = arith.constant 16 : i32
    %shift_left3A_232 = vector.broadcast %shift_left3A_231 : i32 to vector<64x1024xi32>
    %shift_left3A_233 = arith.shli %convert_element_type3A_230, %shift_left3A_232 : vector<64x1024xi32>
    %convert_element_type3A_234 = arith.extui %bitcast_convert_type3A_229 : vector<64x1024xi16> to vector<64x1024xi32>
    %or3A_235 = arith.ori %shift_left3A_233, %convert_element_type3A_234 : vector<64x1024xi32>
    %bitcast_convert_type3A_236 = tpu.bitcast %or3A_235 : vector<64x1024xi32> -> vector<64x1024xf32>
    %transpose3A_237 = tpu.transpose %bitcast_convert_type3A_219, [1, 0] : vector<64x1024xf32> -> vector<1024x64xf32>
    %swap3A_238 = arith.constant 5120 : index
    %swap3A_239 = arith.constant 0 : index
    %swap3A_240 = vector.load %arg2[%swap3A_238, %swap3A_239] : memref<8192x128xf32, #tpu.memory_space<vmem>>, vector<1024x64xf32>
    tpu.vector_store %arg2[%swap3A_238, %swap3A_239], %transpose3A_237 {strides = array<i32>} : memref<8192x128xf32, #tpu.memory_space<vmem>>, vector<1024x64xf32>,
    %transpose3A_241 = tpu.transpose %bitcast_convert_type3A_236, [1, 0] : vector<64x1024xf32> -> vector<1024x64xf32>
    %swap3A_242 = arith.constant 5120 : index
    %swap3A_243 = arith.constant 64 : index
    %swap3A_244 = vector.load %arg2[%swap3A_242, %swap3A_243] : memref<8192x128xf32, #tpu.memory_space<vmem>>, vector<1024x64xf32>
    tpu.vector_store %arg2[%swap3A_242, %swap3A_243], %transpose3A_241 {strides = array<i32>} : memref<8192x128xf32, #tpu.memory_space<vmem>>, vector<1024x64xf32>,
    %get3A_245 = arith.constant 0 : index
    %get3A_246 = arith.constant 6144 : index
    %get3A_247 = vector.load %arg1[%get3A_245, %get3A_246] : memref<64x32768xf32, #tpu.memory_space<vmem>>, vector<64x1024xf32>
    %get3A_248 = arith.constant 0 : index
    %get3A_249 = arith.constant 14336 : index
    %get3A_250 = vector.load %arg1[%get3A_248, %get3A_249] : memref<64x32768xf32, #tpu.memory_space<vmem>>, vector<64x1024xf32>
    %convert_element_type3A_251 = arith.truncf %get3A_247 : vector<64x1024xf32> to vector<64x1024xbf16>
    %bitcast_convert_type3A_252 = tpu.bitcast %convert_element_type3A_251 : vector<64x1024xbf16> -> vector<64x1024xi16>
    %convert_element_type3A_253 = arith.truncf %get3A_250 : vector<64x1024xf32> to vector<64x1024xbf16>
    %bitcast_convert_type3A_254 = tpu.bitcast %convert_element_type3A_253 : vector<64x1024xbf16> -> vector<64x1024xi16>
    %convert_element_type3A_255 = arith.extui %bitcast_convert_type3A_252 : vector<64x1024xi16> to vector<64x1024xi32>
    %shift_left3A_256 = arith.constant 16 : i32
    %shift_left3A_257 = vector.broadcast %shift_left3A_256 : i32 to vector<64x1024xi32>
    %shift_left3A_258 = arith.shli %convert_element_type3A_255, %shift_left3A_257 : vector<64x1024xi32>
    %convert_element_type3A_259 = arith.extui %bitcast_convert_type3A_254 : vector<64x1024xi16> to vector<64x1024xi32>
    %or3A_260 = arith.ori %shift_left3A_258, %convert_element_type3A_259 : vector<64x1024xi32>
    %bitcast_convert_type3A_261 = tpu.bitcast %or3A_260 : vector<64x1024xi32> -> vector<64x1024xf32>
    %get3A_262 = arith.constant 0 : index
    %get3A_263 = arith.constant 22528 : index
    %get3A_264 = vector.load %arg1[%get3A_262, %get3A_263] : memref<64x32768xf32, #tpu.memory_space<vmem>>, vector<64x1024xf32>
    %get3A_265 = arith.constant 0 : index
    %get3A_266 = arith.constant 30720 : index
    %get3A_267 = vector.load %arg1[%get3A_265, %get3A_266] : memref<64x32768xf32, #tpu.memory_space<vmem>>, vector<64x1024xf32>
    %convert_element_type3A_268 = arith.truncf %get3A_264 : vector<64x1024xf32> to vector<64x1024xbf16>
    %bitcast_convert_type3A_269 = tpu.bitcast %convert_element_type3A_268 : vector<64x1024xbf16> -> vector<64x1024xi16>
    %convert_element_type3A_270 = arith.truncf %get3A_267 : vector<64x1024xf32> to vector<64x1024xbf16>
    %bitcast_convert_type3A_271 = tpu.bitcast %convert_element_type3A_270 : vector<64x1024xbf16> -> vector<64x1024xi16>
    %convert_element_type3A_272 = arith.extui %bitcast_convert_type3A_269 : vector<64x1024xi16> to vector<64x1024xi32>
    %shift_left3A_273 = arith.constant 16 : i32
    %shift_left3A_274 = vector.broadcast %shift_left3A_273 : i32 to vector<64x1024xi32>
    %shift_left3A_275 = arith.shli %convert_element_type3A_272, %shift_left3A_274 : vector<64x1024xi32>
    %convert_element_type3A_276 = arith.extui %bitcast_convert_type3A_271 : vector<64x1024xi16> to vector<64x1024xi32>
    %or3A_277 = arith.ori %shift_left3A_275, %convert_element_type3A_276 : vector<64x1024xi32>
    %bitcast_convert_type3A_278 = tpu.bitcast %or3A_277 : vector<64x1024xi32> -> vector<64x1024xf32>
    %transpose3A_279 = tpu.transpose %bitcast_convert_type3A_261, [1, 0] : vector<64x1024xf32> -> vector<1024x64xf32>
    %swap3A_280 = arith.constant 6144 : index
    %swap3A_281 = arith.constant 0 : index
    %swap3A_282 = vector.load %arg2[%swap3A_280, %swap3A_281] : memref<8192x128xf32, #tpu.memory_space<vmem>>, vector<1024x64xf32>
    tpu.vector_store %arg2[%swap3A_280, %swap3A_281], %transpose3A_279 {strides = array<i32>} : memref<8192x128xf32, #tpu.memory_space<vmem>>, vector<1024x64xf32>,
    %transpose3A_283 = tpu.transpose %bitcast_convert_type3A_278, [1, 0] : vector<64x1024xf32> -> vector<1024x64xf32>
    %swap3A_284 = arith.constant 6144 : index
    %swap3A_285 = arith.constant 64 : index
    %swap3A_286 = vector.load %arg2[%swap3A_284, %swap3A_285] : memref<8192x128xf32, #tpu.memory_space<vmem>>, vector<1024x64xf32>
    tpu.vector_store %arg2[%swap3A_284, %swap3A_285], %transpose3A_283 {strides = array<i32>} : memref<8192x128xf32, #tpu.memory_space<vmem>>, vector<1024x64xf32>,
    %get3A_287 = arith.constant 0 : index
    %get3A_288 = arith.constant 7168 : index
    %get3A_289 = vector.load %arg1[%get3A_287, %get3A_288] : memref<64x32768xf32, #tpu.memory_space<vmem>>, vector<64x1024xf32>
    %get3A_290 = arith.constant 0 : index
    %get3A_291 = arith.constant 15360 : index
    %get3A_292 = vector.load %arg1[%get3A_290, %get3A_291] : memref<64x32768xf32, #tpu.memory_space<vmem>>, vector<64x1024xf32>
    %convert_element_type3A_293 = arith.truncf %get3A_289 : vector<64x1024xf32> to vector<64x1024xbf16>
    %bitcast_convert_type3A_294 = tpu.bitcast %convert_element_type3A_293 : vector<64x1024xbf16> -> vector<64x1024xi16>
    %convert_element_type3A_295 = arith.truncf %get3A_292 : vector<64x1024xf32> to vector<64x1024xbf16>
    %bitcast_convert_type3A_296 = tpu.bitcast %convert_element_type3A_295 : vector<64x1024xbf16> -> vector<64x1024xi16>
    %convert_element_type3A_297 = arith.extui %bitcast_convert_type3A_294 : vector<64x1024xi16> to vector<64x1024xi32>
    %shift_left3A_298 = arith.constant 16 : i32
    %shift_left3A_299 = vector.broadcast %shift_left3A_298 : i32 to vector<64x1024xi32>
    %shift_left3A_300 = arith.shli %convert_element_type3A_297, %shift_left3A_299 : vector<64x1024xi32>
    %convert_element_type3A_301 = arith.extui %bitcast_convert_type3A_296 : vector<64x1024xi16> to vector<64x1024xi32>
    %or3A_302 = arith.ori %shift_left3A_300, %convert_element_type3A_301 : vector<64x1024xi32>
    %bitcast_convert_type3A_303 = tpu.bitcast %or3A_302 : vector<64x1024xi32> -> vector<64x1024xf32>
    %get3A_304 = arith.constant 0 : index
    %get3A_305 = arith.constant 23552 : index
    %get3A_306 = vector.load %arg1[%get3A_304, %get3A_305] : memref<64x32768xf32, #tpu.memory_space<vmem>>, vector<64x1024xf32>
    %get3A_307 = arith.constant 0 : index
    %get3A_308 = arith.constant 31744 : index
    %get3A_309 = vector.load %arg1[%get3A_307, %get3A_308] : memref<64x32768xf32, #tpu.memory_space<vmem>>, vector<64x1024xf32>
    %convert_element_type3A_310 = arith.truncf %get3A_306 : vector<64x1024xf32> to vector<64x1024xbf16>
    %bitcast_convert_type3A_311 = tpu.bitcast %convert_element_type3A_310 : vector<64x1024xbf16> -> vector<64x1024xi16>
    %convert_element_type3A_312 = arith.truncf %get3A_309 : vector<64x1024xf32> to vector<64x1024xbf16>
    %bitcast_convert_type3A_313 = tpu.bitcast %convert_element_type3A_312 : vector<64x1024xbf16> -> vector<64x1024xi16>
    %convert_element_type3A_314 = arith.extui %bitcast_convert_type3A_311 : vector<64x1024xi16> to vector<64x1024xi32>
    %shift_left3A_315 = arith.constant 16 : i32
    %shift_left3A_316 = vector.broadcast %shift_left3A_315 : i32 to vector<64x1024xi32>
    %shift_left3A_317 = arith.shli %convert_element_type3A_314, %shift_left3A_316 : vector<64x1024xi32>
    %convert_element_type3A_318 = arith.extui %bitcast_convert_type3A_313 : vector<64x1024xi16> to vector<64x1024xi32>
    %or3A_319 = arith.ori %shift_left3A_317, %convert_element_type3A_318 : vector<64x1024xi32>
    %bitcast_convert_type3A_320 = tpu.bitcast %or3A_319 : vector<64x1024xi32> -> vector<64x1024xf32>
    %transpose3A_321 = tpu.transpose %bitcast_convert_type3A_303, [1, 0] : vector<64x1024xf32> -> vector<1024x64xf32>
    %swap3A_322 = arith.constant 7168 : index
    %swap3A_323 = arith.constant 0 : index
    %swap3A_324 = vector.load %arg2[%swap3A_322, %swap3A_323] : memref<8192x128xf32, #tpu.memory_space<vmem>>, vector<1024x64xf32>
    tpu.vector_store %arg2[%swap3A_322, %swap3A_323], %transpose3A_321 {strides = array<i32>} : memref<8192x128xf32, #tpu.memory_space<vmem>>, vector<1024x64xf32>,
    %transpose3A_325 = tpu.transpose %bitcast_convert_type3A_320, [1, 0] : vector<64x1024xf32> -> vector<1024x64xf32>
    %swap3A_326 = arith.constant 7168 : index
    %swap3A_327 = arith.constant 64 : index
    %swap3A_328 = vector.load %arg2[%swap3A_326, %swap3A_327] : memref<8192x128xf32, #tpu.memory_space<vmem>>, vector<1024x64xf32>
    tpu.vector_store %arg2[%swap3A_326, %swap3A_327], %transpose3A_325 {strides = array<i32>} : memref<8192x128xf32, #tpu.memory_space<vmem>>, vector<1024x64xf32>,
    return
  }
  func.func @transform_0(%arg0: i32) -> (i32, i32) {
    %c0_i32 = arith.constant 0 : i32
    %c0_i32_0 = arith.constant 0 : i32
    return %c0_i32, %arg0 : i32, i32
  }
  func.func @transform_1(%arg0: i32) -> (i32, i32) {
    %c0_i32 = arith.constant 0 : i32
    %c0_i32_0 = arith.constant 0 : i32
    return %arg0, %c0_i32 : i32, i32
  }
}

module attributes {stable_mosaic.version = 14 : i64} {
  func.func @_mlp_body(%arg0: i32, %arg1: memref<4096x128xf32, #tpu.memory_space<vmem>>, %arg2: memref<4096x1xi32, #tpu.memory_space<vmem>>, %arg3: memref<128x128xf32, #tpu.memory_space<vmem>>, %arg4: memref<1x128xf32, #tpu.memory_space<vmem>>, %arg5: memref<128x128xf32, #tpu.memory_space<vmem>>, %arg6: memref<1x128xf32, #tpu.memory_space<vmem>>, %arg7: memref<4096x128xf32, #tpu.memory_space<vmem>>) attributes {dimension_semantics = [#tpu.dimension_semantics<arbitrary>], iteration_bounds = array<i64: 4>, scalar_prefetch = 0 : i64, scratch_operands = 0 : i64, tpu.core_type = #tpu.core_type<tc>, window_params = [{transform_indices = @transform_0, window_bounds = array<i64: 4096, 128>}, {transform_indices = @transform_1, window_bounds = array<i64: 4096, 1>}, {pipeline_mode = #tpu.pipeline_mode<synchronous>, transform_indices = @transform_2, window_bounds = array<i64: 128, 128>}, {pipeline_mode = #tpu.pipeline_mode<synchronous>, transform_indices = @transform_3, window_bounds = array<i64: 1, 128>}, {pipeline_mode = #tpu.pipeline_mode<synchronous>, transform_indices = @transform_4, window_bounds = array<i64: 128, 128>}, {pipeline_mode = #tpu.pipeline_mode<synchronous>, transform_indices = @transform_5, window_bounds = array<i64: 1, 128>}, {transform_indices = @transform_6, window_bounds = array<i64: 4096, 128>}]} {
    %get3A = arith.constant 0 : index
    %get3A_0 = arith.constant 0 : index
    %get3A_1 = vector.load %arg1[%get3A, %get3A_0] : memref<4096x128xf32, #tpu.memory_space<vmem>>, vector<4096x128xf32>
    %bitcast_convert_type3A = tpu.bitcast %get3A_1 : vector<4096x128xf32> -> vector<4096x128xi32>
    %get3A_2 = arith.constant 0 : index
    %get3A_3 = arith.constant 0 : index
    %get3A_4 = vector.load %arg2[%get3A_2, %get3A_3] : memref<4096x1xi32, #tpu.memory_space<vmem>>, vector<4096x1xi32>
    %and3A = arith.constant 1 : i32
    %and3A_5 = vector.broadcast %and3A : i32 to vector<4096x1xi32>
    %and3A_6 = arith.andi %get3A_4, %and3A_5 : vector<4096x1xi32>
    %eq3A = arith.constant 0 : i32
    %eq3A_7 = vector.broadcast %eq3A : i32 to vector<4096x1xi32>
    %eq3A_8 = arith.cmpi eq, %and3A_6, %eq3A_7 : vector<4096x1xi32>
    %and3A_9 = arith.constant -65536 : i32
    %and3A_10 = vector.broadcast %and3A_9 : i32 to vector<4096x128xi32>
    %and3A_11 = arith.andi %bitcast_convert_type3A, %and3A_10 : vector<4096x128xi32>
    %shift_left3A = arith.constant 16 : i32
    %shift_left3A_12 = vector.broadcast %shift_left3A : i32 to vector<4096x128xi32>
    %shift_left3A_13 = arith.shli %bitcast_convert_type3A, %shift_left3A_12 : vector<4096x128xi32>
    %broadcast_in_dim3A = vector.shape_cast %eq3A_8 : vector<4096x1xi1> to vector<4096x1xi1>
    %broadcast_in_dim3A_14 = vector.broadcast %broadcast_in_dim3A : vector<4096x1xi1> to vector<4096x128xi1>
    %select_n3A = arith.select %broadcast_in_dim3A_14, %and3A_11, %shift_left3A_13 : vector<4096x128xi1>, vector<4096x128xi32>
    %bitcast_convert_type3A_15 = tpu.bitcast %select_n3A : vector<4096x128xi32> -> vector<4096x128xf32>
    %shift_right_logical3A = arith.constant 1 : i32
    %shift_right_logical3A_16 = vector.broadcast %shift_right_logical3A : i32 to vector<4096x1xi32>
    %shift_right_logical3A_17 = arith.shrui %get3A_4, %shift_right_logical3A_16 : vector<4096x1xi32>
    %iota3A = tpu.iota {dimensions = array<i32: 1>} : vector<1x128xi32>
    %lt3A = arith.constant 64 : i32
    %lt3A_18 = vector.broadcast %lt3A : i32 to vector<1x128xi32>
    %lt3A_19 = arith.cmpi slt, %iota3A, %lt3A_18 : vector<1x128xi32>
    %eq3A_20 = arith.constant 0 : i32
    %eq3A_21 = vector.broadcast %eq3A_20 : i32 to vector<4096x1xi32>
    %eq3A_22 = arith.cmpi eq, %shift_right_logical3A_17, %eq3A_21 : vector<4096x1xi32>
    %eq3A_23 = vector.broadcast %lt3A_19 : vector<1x128xi1> to vector<4096x128xi1>
    %eq3A_24 = vector.broadcast %eq3A_22 : vector<4096x1xi1> to vector<4096x128xi1>
    %eq3A_25 = vector.broadcast %eq3A_23 : vector<4096x128xi1> to vector<4096x128xi1>
    %eq3A_26 = vector.broadcast %eq3A_24 : vector<4096x128xi1> to vector<4096x128xi1>
    %eq3A_27 = arith.xori %eq3A_25, %eq3A_26 : vector<4096x128xi1>
    %eq3A_28 = arith.constant dense<true> : vector<4096x128xi1>
    %eq3A_29 = arith.xori %eq3A_27, %eq3A_28 : vector<4096x128xi1>
    %jit3A = arith.constant 0.000000e+00 : f32
    %broadcast_in_dim3A_30 = vector.broadcast %jit3A : f32 to vector<4096x128xf32>
    %select_n3A_31 = arith.select %eq3A_29, %bitcast_convert_type3A_15, %broadcast_in_dim3A_30 : vector<4096x128xi1>, vector<4096x128xf32>
    %get3A_32 = arith.constant 0 : index
    %get3A_33 = arith.constant 0 : index
    %get3A_34 = vector.load %arg3[%get3A_32, %get3A_33] : memref<128x128xf32, #tpu.memory_space<vmem>>, vector<128x128xf32>
    %dot_general3A = arith.constant dense<0.000000e+00> : vector<4096x128xf32>
    %dot_general3A_35 = tpu.matmul %select_n3A_31, %get3A_34, %dot_general3A {dimension_numbers = #tpu.dot_dimension_numbers<[1], [0], [0], [1], [0, 0, 1, 1], [], []>, transpose_lhs_hint = false} : vector<4096x128xf32>, vector<128x128xf32>, vector<4096x128xf32> -> vector<4096x128xf32>
    %get3A_36 = arith.constant 0 : index
    %get3A_37 = arith.constant 0 : index
    %get3A_38 = vector.load %arg4[%get3A_36, %get3A_37] : memref<1x128xf32, #tpu.memory_space<vmem>>, vector<1x128xf32>
    %add3A = vector.broadcast %get3A_38 : vector<1x128xf32> to vector<4096x128xf32>
    %add3A_39 = arith.addf %dot_general3A_35, %add3A : vector<4096x128xf32>
    %get3A_40 = arith.constant 0 : index
    %get3A_41 = arith.constant 0 : index
    %get3A_42 = vector.load %arg5[%get3A_40, %get3A_41] : memref<128x128xf32, #tpu.memory_space<vmem>>, vector<128x128xf32>
    %dot_general3A_43 = arith.constant dense<0.000000e+00> : vector<4096x128xf32>
    %dot_general3A_44 = tpu.matmul %add3A_39, %get3A_42, %dot_general3A_43 {dimension_numbers = #tpu.dot_dimension_numbers<[1], [0], [0], [1], [0, 0, 1, 1], [], []>, transpose_lhs_hint = false} : vector<4096x128xf32>, vector<128x128xf32>, vector<4096x128xf32> -> vector<4096x128xf32>
    %get3A_45 = arith.constant 0 : index
    %get3A_46 = arith.constant 0 : index
    %get3A_47 = vector.load %arg6[%get3A_45, %get3A_46] : memref<1x128xf32, #tpu.memory_space<vmem>>, vector<1x128xf32>
    %add3A_48 = vector.broadcast %get3A_47 : vector<1x128xf32> to vector<4096x128xf32>
    %add3A_49 = arith.addf %dot_general3A_44, %add3A_48 : vector<4096x128xf32>
    %swap3A = arith.constant 0 : index
    %swap3A_50 = arith.constant 0 : index
    %swap3A_51 = vector.load %arg7[%swap3A, %swap3A_50] : memref<4096x128xf32, #tpu.memory_space<vmem>>, vector<4096x128xf32>
    tpu.vector_store %arg7[%swap3A, %swap3A_50], %add3A_49 {strides = array<i32>} : memref<4096x128xf32, #tpu.memory_space<vmem>>, vector<4096x128xf32>,
    return
  }
  func.func @transform_0(%arg0: i32) -> (i32, i32) {
    %c0_i32 = arith.constant 0 : i32
    %c0_i32_0 = arith.constant 0 : i32
    return %arg0, %c0_i32 : i32, i32
  }
  func.func @transform_1(%arg0: i32) -> (i32, i32) {
    %c0_i32 = arith.constant 0 : i32
    %c0_i32_0 = arith.constant 0 : i32
    return %arg0, %c0_i32 : i32, i32
  }
  func.func @transform_2(%arg0: i32) -> (i32, i32) {
    %c0_i32 = arith.constant 0 : i32
    %c0_i32_0 = arith.constant 0 : i32
    %c0_i32_1 = arith.constant 0 : i32
    return %c0_i32, %c0_i32_0 : i32, i32
  }
  func.func @transform_3(%arg0: i32) -> (i32, i32) {
    %c0_i32 = arith.constant 0 : i32
    %c0_i32_0 = arith.constant 0 : i32
    %c0_i32_1 = arith.constant 0 : i32
    return %c0_i32, %c0_i32_0 : i32, i32
  }
  func.func @transform_4(%arg0: i32) -> (i32, i32) {
    %c0_i32 = arith.constant 0 : i32
    %c0_i32_0 = arith.constant 0 : i32
    %c0_i32_1 = arith.constant 0 : i32
    return %c0_i32, %c0_i32_0 : i32, i32
  }
  func.func @transform_5(%arg0: i32) -> (i32, i32) {
    %c0_i32 = arith.constant 0 : i32
    %c0_i32_0 = arith.constant 0 : i32
    %c0_i32_1 = arith.constant 0 : i32
    return %c0_i32, %c0_i32_0 : i32, i32
  }
  func.func @transform_6(%arg0: i32) -> (i32, i32) {
    %c0_i32 = arith.constant 0 : i32
    %c0_i32_0 = arith.constant 0 : i32
    return %arg0, %c0_i32 : i32, i32
  }
}

</mosaic_0001>

<sc_bundles>
// kernel: kernel.5.cloned.1.call-start
scs
__scs_entry_jumppad:
0x0: {  	(pc) =	sbr.rel $0x88, $3  }
0x1: {  	(tag) =	ssettag $0x0;
	lr =	simm.s32 $0x1  }
0x2: {  	[smem:$0x3F9B] =	sst lr;
	_ =	strace $0xD0000000  }
0x3: {  	_ = 	snop  }
0x4: {  	_ = 	snop  }
0x5: {  	_ = 	snop  }
0x6: {  	_ = 	snop  }
0x7: {  	_ = 	snop  }
__scs_overlays_trampoline_lowered:
0x8: {  	[smem:$0x3FAA] =	sst s0  }
0x9: {  	[smem:$0x3FAB] =	sst s1  }
0xa: {  	[smem:$0x3FAC] =	sst s2  }
0xb: {  	[smem:$0x3FAD] =	sst s3  }
0xc: {  	[smem:$0x3FAE] =	sst s4  }
0xd: {  	[smem:$0x3FAF] =	sst s5  }
0xe: {  	[smem:$0x3FB0] =	sst s6  }
0xf: {  	[smem:$0x3FB1] =	sst s7  }
0x10: {  	[smem:$0x3FB2] =	sst s8  }
0x11: {  	[smem:$0x3FB3] =	sst s9;
	s0 =	simm.s32 @!p0 $0x0  }
0x12: {  	s1 =	sld [smem:$0x3F99];
	s0 =	simm.s32 @p0 $0x1  }
0x13: {  	[smem:$0x3FB4] =	sst s0;
	s0 =	simm.s32 @!p1 $0x0  }
0x14: {  	s2 =	sld [smem:$0x3F98];
	s0 =	simm.s32 @p1 $0x1  }
0x15: {  	[smem:$0x3FB5] =	sst s0;
	s0 =	simm.s32 @!p2 $0x0  }
0x16: {  	s3 =	sld [smem:$0x3FDB];
	s0 =	simm.s32 @p2 $0x1  }
0x17: {  	s4 =	simm.s32 $0x1BF5;
	[smem:$0x3FB7] =	sst s0  }
0x18: {  	s0 =	sld [smem:$0x3F9A];
	_ =	swait.ge [sflag:s4], $0x0  }
0x19: {  	s7 =	sld [smem:$0x3F9B]  }
0x1a: {  	s8 =	sadd.s32 $0xFFFFE003, lr  }
0x1b: {  	s9 =	sadd.s32 $0xFFFFFEF7, lr;
	s5 =	simm.s32 $0xFFFFFFFF;
	p2 =	slt.u32 s8, $0xFFFFF086  }
0x1c: {  	p1 =	slt.u32 s9, $0xF7A;
	s5 =	simm.s32 @!p2 $0x0  }
0x1d: {  	s5 =	simm.s32 @p1 $0x1;
	p0 =	seq.s32 s7, s2  }
0x1e: {  	s7 =	smul.u32 @!p0 $0xF7A, s2;
	p2 =	seq.s32 @!p0 s5, $0x0  }
0x1f: {  	s9 =	smul.u32 $0xF7A, s1;
	s8 =	simm.s32 @!p0 $0x1BF5;
	p2 =	por !p2, p0  }
0x20: {  	[sflag:s8] =	ssyncset.s32 @!p0 $0xFFFFF086;
	s6 =	sadd.s32 @!p0 s3, s7;
	s7 =	simm.s32 @!p0 $0x108  }
0x21: {  	s3 =	sadd.s32 s3, s9;
	s6 =	sadd.s32 @!p0 $0x88, s6;
	s7 =	simm.s32 @p2 $0x1082  }
0x22: {  	[simem:s7], [sflag:s8] =	dma.local @!p0 [hbm:s6], $0xF7A  }
0x23: {  	s9 =	sor.u32 $0xD0000000, s2;
	s6 =	simm.s32 $0x108;
	_ =	swait.ge @!p0 [sflag:s8], $0x0  }
0x24: {  	s3 =	sadd.s32 $0x88, s3;
	s6 =	simm.s32 @!p1 $0x1082;
	[sflag:s4] =	ssyncset.s32 $0xFFFFF086  }
0x25: {  	[simem:s6], [sflag:s4] =	dma.local [hbm:s3], $0xF7A  }
0x26: {  	[smem:$0x3F9B] =	sst s1;
	(tag) =	ssettag s2;
	_ =	strace s9  }
0x27: {  	s1 =	sld [smem:$0x3FAB]  }
0x28: {  	s2 =	sld [smem:$0x3FAC]  }
0x29: {  	s4 =	sld [smem:$0x3FAE]  }
0x2a: {  	p0 =	seq.s32 s5, $0x0;
	s5 =	sld [smem:$0x3FAF]  }
0x2b: {  	s6 =	sld [smem:$0x3FB0]  }
0x2c: {  	s7 =	sld [smem:$0x3FB1]  }
0x2d: {  	s3 =	simm.s32 $0x108;
	s8 =	sld [smem:$0x3FB2]  }
0x2e: {  	s3 =	simm.s32 @!p0 $0x1082;
	s9 =	sld [smem:$0x3FB3]  }
0x2f: {  	lr =	sadd.s32 s0, s3;
	s0 =	sld [smem:$0x3FAA]  }
0x30: {  	s3 =	sld [smem:$0x3FAD]  }
0x31: {  	[smem:$0x3FB6] =	sst s10  }
0x32: {  	s10 =	sld [smem:$0x3FB4];
	_ =	sdelay $0x3  }
0x33: {  	p0 =	seq.s32 s10, $0x1;
	s10 =	sld [smem:$0x3FB6];
	_ =	sdelay $0x3  }
0x34: {  	[smem:$0x3FB6] =	sst s10  }
0x35: {  	s10 =	sld [smem:$0x3FB5];
	_ =	sdelay $0x3  }
0x36: {  	p1 =	seq.s32 s10, $0x1;
	s10 =	sld [smem:$0x3FB6];
	_ =	sdelay $0x3  }
0x37: {  	[smem:$0x3FB6] =	sst s10  }
0x38: {  	s10 =	sld [smem:$0x3FB7]  }
0x39: {  	_ = 	snop;
	(pc) =	sbr.ind lr, $3  }
0x3a: {  	_ = 	snop  }
0x3b: {  	_ = 	snop  }
0x3c: {  	p2 =	seq.s32 s10, $0x1;
	s10 =	sld [smem:$0x3FB6]  }
0x3d: {  	_ =	shalt  }
0x3e: {  	_ =	shalt  }
0x3f: {  	_ =	shalt  }
0x40: {  	_ =	shalt  }
0x41: {  	_ =	shalt  }
0x42: {  	_ =	shalt  }
0x43: {  	_ =	shalt  }
0x44: {  	_ =	shalt  }
0x45: {  	_ =	shalt  }
0x46: {  	_ =	shalt  }
0x47: {  	_ =	shalt  }
0x48: {  	_ =	shalt  }
0x49: {  	_ =	shalt  }
0x4a: {  	_ =	shalt  }
0x4b: {  	_ =	shalt  }
0x4c: {  	_ =	shalt  }
0x4d: {  	_ =	shalt  }
0x4e: {  	_ =	shalt  }
0x4f: {  	_ =	shalt  }
0x50: {  	_ =	shalt  }
0x51: {  	_ =	shalt  }
0x52: {  	_ =	shalt  }
0x53: {  	_ =	shalt  }
0x54: {  	_ =	shalt  }
0x55: {  	_ =	shalt  }
0x56: {  	_ =	shalt  }
0x57: {  	_ =	shalt  }
0x58: {  	_ =	shalt  }
0x59: {  	_ =	shalt  }
0x5a: {  	_ =	shalt  }
0x5b: {  	_ =	shalt  }
0x5c: {  	_ =	shalt  }
0x5d: {  	_ =	shalt  }
0x5e: {  	_ =	shalt  }
0x5f: {  	_ =	shalt  }
0x60: {  	_ =	shalt  }
0x61: {  	_ =	shalt  }
0x62: {  	_ =	shalt  }
0x63: {  	_ =	shalt  }
0x64: {  	_ =	shalt  }
0x65: {  	_ =	shalt  }
0x66: {  	_ =	shalt  }
0x67: {  	_ =	shalt  }
0x68: {  	_ =	shalt  }
0x69: {  	_ =	shalt  }
0x6a: {  	_ =	shalt  }
0x6b: {  	_ =	shalt  }
0x6c: {  	_ =	shalt  }
0x6d: {  	_ =	shalt  }
0x6e: {  	_ =	shalt  }
0x6f: {  	_ =	shalt  }
0x70: {  	_ =	shalt  }
0x71: {  	_ =	shalt  }
0x72: {  	_ =	shalt  }
0x73: {  	_ =	shalt  }
0x74: {  	_ =	shalt  }
0x75: {  	_ =	shalt  }
0x76: {  	_ =	shalt  }
0x77: {  	_ =	shalt  }
0x78: {  	_ =	shalt  }
0x79: {  	_ =	shalt  }
0x7a: {  	_ =	shalt  }
0x7b: {  	_ =	shalt  }
0x7c: {  	_ =	shalt  }
0x7d: {  	_ =	shalt  }
0x7e: {  	_ =	shalt  }
0x7f: {  	_ =	shalt  }
0x80: {  	_ =	shalt  }
0x81: {  	_ =	shalt  }
0x82: {  	_ =	shalt  }
0x83: {  	_ =	shalt  }
0x84: {  	_ =	shalt  }
0x85: {  	_ =	shalt  }
0x86: {  	_ =	shalt  }
0x87: {  	_ =	shalt  }
.Lfunc_end0:
.L_simem_size_0:
called_computation_lowered:
.L_overlay_start_0:
0x88: {  	s2 =	sld [smem:$0x3FD9]  }
0x89: {  	s3 =	sld [smem:$0x3FFE];
	_ =	sdelay $0x1  }
0x8a: {  	s1 =	srdreg.scid  }
0x8b: {  	s0 =	sand.u32 $0x1, s1  }
0x8c: {  	s17 =	sshll.u32 s0, $0xA;
	s2 =	sadd.s32 s3, s2  }
0x8d: {  	s2 =	sadd.s32 s2, s17  }
0x8e: {  	[smem:$0x3FC2] =	sst s2  }
0x8f: {  	_ = 	snop  }
0x90: {  	s2 =	sld [smem:$0x3FD0];
	(tm) =	ssettm $0x1  }
0x91: {  	s18 =	sld [smem:$0x3FFB];
	_ =	sdelay $0x3  }
0x92: {  	_ =	strace s18  }
0x93: {  	s3 =	sld [smem:$0x3FFC];
	_ =	sdelay $0x3  }
0x94: {  	_ =	strace s3  }
0x95: {  	s3 =	sld [smem:$0x3FFD];
	_ =	sdelay $0x3  }
0x96: {  	_ =	strace s3  }
0x97: {  	_ =	strace $0x8FFFFFFF  }
0x98: {  	s19 =	sld [smem:$0x3FDB];
	_ =	sdelay $0x1  }
0x99: {  	s4 =	simm.s32 $_scs_section_size  }
0x9a: {  	s5 =	simm.s32 $_size__tile_overlayer_lowered;
	s6 =	simm.s32 $_tile_overlayer_lowered  }
0x9b: {  	s22 =	simm.s32 $0x1BFF;
	s21 =	sshll.u32 s6, $0x1;
	s3 =	sadd.s32 s4, s19  }
0x9c: {  	s7 =	simm.s32 $0x0;
	s20 =	sshll.u32 s5, $0x1;
	s5 =	sadd.s32 s21, s3  }
0x9d: {  	[timem:s7], [sflag:s22] =	dma.local [hbm:s5], s20  }
0x9e: {  	_ =	swait.ge [sflag:s22], s20  }
0x9f: {  	s4 =	ssub.s32 $0x0, s20;
	[sflag:s22] =	ssyncset.done $0x0  }
0xa0: {  	[sflag:s22] =	ssyncadd.s32 s4;
	_ =	sdelay $0x1  }
0xa1: {  	s23 =	simm.s32 $0x1B8B  }
0xa2: {  	_ =	swait.ge [sflag:s23], $0x1  }
0xa3: {  	[sflag:s23] =	ssyncset.done $0x0  }
0xa4: {  	s25 =	simm.s32 $0x1B8E;
	s24 =	sld [smem:$0x3FFE];
	[sflag:s23] =	ssyncadd.s32 $0xFFFFFFFF  }
0xa5: {  	s26 =	simm.s32 $execute0_lowered;
	[smem:$0x3FD2] =	sst s25  }
0xa6: {  	s5 =	sshll.u32 s26, $0x1;
	_ =	strace $0x80000046;
	[dreg:$0x1] =	wrdreg $0xFFFFFFFF  }
0xa7: {  	s28 =	simm.s32 $_size_execute0_lowered;
	s3 =	sadd.s32 s3, s5;
	[dreg:$0x0] =	wrdreg $0x0  }
0xa8: {  	s5 =	sshll.u32 s28, $0x1;
	[dreg:$0x2] =	wrdreg s3  }
0xa9: {  	[dreg:$0x3] =	wrdreg s5  }
0xaa: {  	[dreg:$0x4] =	wrdreg $0xC0  }
0xab: {  	_ =	task [dreg:s7], $0x5FFFF  }
0xac: {  	[dreg:$0x1] =	wrdreg $0xFFFFFFFF  }
0xad: {  	[dreg:$0x0] =	wrdreg $0x60  }
0xae: {  	[dreg:$0x2] =	wrdreg s24  }
0xaf: {  	[dreg:$0x3] =	wrdreg s2  }
0xb0: {  	[dreg:$0x4] =	wrdreg $0x9  }
0xb1: {  	_ =	task.clear_ibuf [dreg:s7], $0x5FFFF;
	_ =	strace $0x90000046  }
0xb2: {  	s29 =	simm.s32 $0x9;
	_ =	strace $0x80000048  }
0xb3: {  	_ =	swait.ge [sflag:s29], $0x1  }
0xb4: {  	[sflag:s29] =	ssyncadd.s32 $0xFFFFFFFF  }
0xb5: {  	_ =	strace $0x90000048  }
0xb6: {  	_ =	sfence  }
0xb7: {  	s30 =	sld [smem:$0x0];
	_ =	sdelay $0x2  }
0xb8: {  	s31 =	sshll.u32 s1, $0xD;
	s1 =	sshrl.u32 s1, $0x2  }
0xb9: {  	s3 =	sand.u32 $0x4000, s31;
	s1 =	sadd.s32 s1, s30  }
0xba: {  	s0 =	sor.u32 s3, s0;
	s1 =	sshll.u32 s1, $0x11  }
0xbb: {  	s0 =	sor.u32 s1, s0  }
0xbc: {  	s0 =	sadd.s32 $0x8F2B, s0  }
0xbd: {  	[sflag:s0] =	ssyncadd.remote.s32 $0x1  }
0xbe: {  	_ =	sfence.sel $0xFFFF  }
0xbf: {  	[dreg:$0x0] =	wrdreg $0xFFFFFFFF;
	(pc) =	sbr.abs _section_cstart, $3  }
0xc0: {  	[dreg:$0x1] =	wrdreg $0xFFFFFFFF  }
0xc1: {  	_ =	task.clear_ibuf [dreg:s7], $0x2FFFF;
	_ =	strace $0x9FFFFFFF  }
0xc2: {  	(tm) =	ssettm $0x7FFFFFFF  }
0xc3: {  	_ =	shalt  }
tec
execute0_lowered:
.L_overlay_start_1:
0x0: {  	(tag) =	ssettag $0x1  }
0x1: {  	s1 =	srdreg.scid  }
0x2: {  	s0 =	stileid.u32;
	s6 =	sand.u32 $0x1, s1  }
0x3: {  	s5 =	rddreg [dreg:$0x0];
	s30 =	sshll.u32 s0, $0xA;
	s2 =	sshll.u32 s6, $0x9  }
0x4: {  	s8 =	rddreg [dreg:$0x1];
	s9 =	sor.u32 s2, s30  }
0x5: {  	s1 =	rddreg [dreg:$0x2];
	s2 =	simm.s32 $0x0;
	s3 =	sshrl.u32 s9, $0x3  }
0x6: {  	s10 =	ssub.s32 $0x2, s6;
	[smem:$0x7FF] =	sst s2;
	s3 =	sadd.s32 s3, s5  }
0x7: {  	_ =	strace $0x80000047;
	s4 =	sadd.s32 $0x1A00, s3;
	s3 =	simm.s32 $0x2  }
0x8: {  	[tilespmem:s2], [sflag:$0x2] =	stream.linear.gather [hbm4b:s4+s2], $0x200, $0x38;
	[tilespmem:$0x10200] =	vst v63  }
0x9: {  	s7 =	simm.s32 $0x1;
	s11 =	sshrl.u32 s10, $0x1;
	_ =	swait.ge [sflag:s3], $0x200  }
0xa: {  	s6 =	simm.s32 $0x200;
	s10 =	ssub.s32 s10, s11;
	[sflag:s3] =	ssyncset.done $0x0  }
0xb: {  	s5 =	sadd.s32 $0x2200, s5;
	s31 =	smax.u32 s10, $0x1;
	[sflag:s3] =	ssyncadd.s32 $0xFFFFFE00  }
0xc: {  	[tilespmem:s6], [sflag:$0x1] =	stream.indirect.gather [hbm4b:s5+s6], $0x80, s2, s6, $0xb8;
	[tilespmem:$0x10200] =	vst v63  }
0xd: {  	p0 =	sne.s32 s31, $0x1;
	_ =	swait.ge [sflag:s7], $0x10000  }
.Ltmp0:
0xe: {  	s9 =	sshll.u32 s9, $0x4;
	[sflag:s7] =	ssyncset.done $0x0;
	(pc) =	sbr.rel @!p0 .LBB2_2-.Ltmp0, $4  }
0xf: {  	s8 =	sadd.s32 s8, s9;
	[sflag:s7] =	ssyncadd.s32 $0xFFFF0000  }
0x10: {  	[hbm4b:s8+s2] =	stream.linear.scatter [tilespmem:s6], [sflag:$0x2], $0x10000, $0x38;
	[tilespmem:$0x10200] =	vst v63  }
0x11: {  	_ =	swait.ge [sflag:s3], $0x10000  }
0x12: {  	s9 =	sadd.s32 $0xFFFFFFFF, s31;
	[sflag:s3] =	ssyncset.done $0x0  }
.LBB2_1:
0x13: {  	p0 =	sne.s32 s9, $0x1;
	s9 =	sadd.s32 $0xFFFFFFFF, s9;
	[sflag:s3] =	ssyncadd.s32 $0xFFFF0000  }
0x14: {  	[tilespmem:s2], [sflag:$0x2] =	stream.linear.gather [hbm4b:s4+s2], $0x200, $0x38;
	[tilespmem:$0x10200] =	vst v63  }
0x15: {  	_ =	swait.ge [sflag:s3], $0x200  }
0x16: {  	[sflag:s3] =	ssyncset.done $0x0  }
0x17: {  	[sflag:s3] =	ssyncadd.s32 $0xFFFFFE00  }
0x18: {  	[tilespmem:s6], [sflag:$0x1] =	stream.indirect.gather [hbm4b:s5+s6], $0x80, s2, s6, $0xb8;
	[tilespmem:$0x10200] =	vst v63  }
0x19: {  	_ =	swait.ge [sflag:s7], $0x10000  }
.Ltmp1:
0x1a: {  	[sflag:s7] =	ssyncset.done $0x0;
	(pc) =	sbr.rel @p0 .LBB2_1-.Ltmp1, $4  }
0x1b: {  	[sflag:s7] =	ssyncadd.s32 $0xFFFF0000  }
0x1c: {  	[hbm4b:s8+s2] =	stream.linear.scatter [tilespmem:s6], [sflag:$0x2], $0x10000, $0x38;
	[tilespmem:$0x10200] =	vst v63  }
0x1d: {  	_ =	swait.ge [sflag:s3], $0x10000  }
0x1e: {  	[sflag:s3] =	ssyncset.done $0x0  }
.LBB2_2:
0x1f: {  	[sflag:s3] =	ssyncadd.s32 $0xFFFF0000  }
0x20: {  	_ =	sfence.sel $0x180000  }
0x21: {  	[bflag:$0x0] =	sbarrier.arrive $0xFFFF  }
0x22: {  	p0 =	sne.s32 s0, $0x0;
	_ =	strace $0x90000047  }
0x23: {  	s0 =	sadd.s32 @!p0 $0x100000, s1;
	[bflag:$0x2] =	sbarrier.arrive $0xFFFF  }
0x24: {  	[sflag:s0] =	ssyncadd.tile.s32 @!p0 $0x1;
	_ =	shalt  }
.Lfunc_end2:
_tile_overlayer_lowered:
.L_overlay_start_2:
0x25: {  	(tag) =	ssettag $0x2  }
0x26: {  	s0 =	rddreg [dreg:$0x0];
	s2 =	stileid.u32  }
0x27: {  	s1 =	rddreg [dreg:$0x1];
	p0 =	sne.s32 s2, $0x0  }
0x28: {  	s3 =	rddreg [dreg:$0x2];
	[bflag:$0x3] =	sbarrier.arrive $0xFFFF;
	s2 =	simm.s32 @!p0 $0x1C02  }
0x29: {  	[timem:s3], [sflag:s2] =	dma.local @!p0 [hbm:s0], s1  }
0x2a: {  	s0 =	simm.s32 @!p0 $0x2  }
0x2b: {  	_ =	swait.ge @!p0 [sflag:s0], s1  }
0x2c: {  	s1 =	ssub.s32 @!p0 $0x0, s1;
	[sflag:s0] =	ssyncset.done @!p0 $0x0  }
0x2d: {  	[sflag:s0] =	ssyncadd.s32 @!p0 s1  }
0x2e: {  	[bflag:$0x3] =	sbarrier.arrive $0xFFFF  }
0x2f: {  	_ =	shalt  }

</sc_bundles>
